<compile_context>
chip_gen: v7x
topology: tpu7x:2x2x1
jax: 0.10.2.dev20260603
libtpu: 0.0.44.dev20260713+nightly
codegen_flags: <defaults>
</compile_context>

<pallas_src>
import functools

import jax
import jax.numpy as jnp
import numpy as np
from jax import lax
from jax.experimental import pallas as pl
from jax.experimental.pallas import tpu as pltpu
from jax.experimental.pallas import tpu_sc as plsc

_TOP_K = 2
_N_EXP = 16
_N_EMBD = 2048
_N = 8192
_CAP = 2048
_BLK = 512
_GRID = _N // _BLK

_UTRI = np.triu(np.ones((_BLK, _BLK), np.float32), 1).astype(np.dtype("bfloat16"))


def _router_block_kernel(x_ref, wt_ref, utri_ref, i0_ref, i1_ref, p0_ref, p1_ref,
                         r0_ref, r1_ref, tot_ref, carry0, carry1):
    step = pl.program_id(0)

    @pl.when(step == 0)
    def _init():
        carry0[...] = jnp.zeros_like(carry0)
        carry1[...] = jnp.zeros_like(carry1)

    logits = jnp.dot(x_ref[...], wt_ref[...], preferred_element_type=jnp.float32)
    lt = logits.T
    row = jax.lax.broadcasted_iota(jnp.int32, (_N_EXP, _BLK), 0)
    m0 = jnp.max(lt, axis=0, keepdims=True)
    i0 = jnp.min(jnp.where(lt == m0, row, _N_EXP), axis=0, keepdims=True)
    l2 = jnp.where(row == i0, -jnp.inf, lt)
    m1 = jnp.max(l2, axis=0, keepdims=True)
    i1 = jnp.min(jnp.where(l2 == m1, row, _N_EXP), axis=0, keepdims=True)
    ed = jnp.exp(m1 - m0)
    denom = 1.0 + ed
    oh0b = (row == i0).astype(jnp.bfloat16)
    oh1b = (row == i1).astype(jnp.bfloat16)
    utri = utri_ref[...]
    excl0 = jnp.dot(oh0b, utri, preferred_element_type=jnp.float32)
    excl1 = jnp.dot(oh1b, utri, preferred_element_type=jnp.float32)
    oh0 = oh0b.astype(jnp.float32)
    oh1 = oh1b.astype(jnp.float32)
    rank0 = jnp.sum((carry0[...] + excl0) * oh0, axis=0, keepdims=True)
    rank1 = jnp.sum((carry1[...] + excl1) * oh1, axis=0, keepdims=True)
    carry0[...] = carry0[...] + jnp.sum(oh0, axis=1, keepdims=True)
    carry1[...] = carry1[...] + jnp.sum(oh1, axis=1, keepdims=True)
    i0_ref[...] = i0.reshape(1, 1, _BLK)
    i1_ref[...] = i1.reshape(1, 1, _BLK)
    p0_ref[...] = (1.0 / denom).reshape(1, 1, _BLK)
    p1_ref[...] = (ed / denom).reshape(1, 1, _BLK)
    r0_ref[...] = rank0.reshape(1, 1, _BLK)
    r1_ref[...] = rank1.reshape(1, 1, _BLK)
    tot_ref[...] = carry0[...]


_NW = 32
_TPW = _N // _NW
_GPW = _TPW // 16


@functools.partial(
    pl.kernel,
    out_type=[
        jax.ShapeDtypeStruct((_N * _TOP_K * _N_EXP,), jnp.int32),
        jax.ShapeDtypeStruct((_N * _TOP_K,), jnp.float32),
        jax.ShapeDtypeStruct((_N * _TOP_K,), jnp.int32),
        jax.ShapeDtypeStruct((_N * _TOP_K,), jnp.int32),
    ],
    mesh=plsc.VectorSubcoreMesh(core_axis_name="c", subcore_axis_name="s"),
    compiler_params=pltpu.CompilerParams(needs_layout_passes=False),
    scratch_types=[
        pltpu.VMEM((_TPW,), jnp.int32),
        pltpu.VMEM((_TPW,), jnp.int32),
        pltpu.VMEM((_TPW,), jnp.float32),
        pltpu.VMEM((_TPW,), jnp.float32),
        pltpu.VMEM((_TPW,), jnp.float32),
        pltpu.VMEM((_TPW,), jnp.float32),
        pltpu.VMEM((_N_EXP,), jnp.float32),
        pltpu.VMEM((_TPW * _TOP_K * _N_EXP,), jnp.int32),
        pltpu.VMEM((_TPW * _TOP_K,), jnp.float32),
        pltpu.VMEM((_TPW * _TOP_K,), jnp.int32),
        pltpu.VMEM((_TPW * _TOP_K,), jnp.int32),
    ],
)
def _sc_finalize(i0_hbm, i1_hbm, p0_hbm, p1_hbm, r0_hbm, r1_hbm, tot_hbm,
                 mask_hbm, probs_hbm, idx_hbm, rank_hbm,
                 ids0_v, ids1_v, p0_v, p1_v, r0_v, r1_v, tot_v,
                 mask_st, probs_st, idx_st, rank_st):
    wid = lax.axis_index("s") * 2 + lax.axis_index("c")
    base = wid * _TPW
    pltpu.sync_copy(i0_hbm.at[pl.ds(base, _TPW)], ids0_v)
    pltpu.sync_copy(i1_hbm.at[pl.ds(base, _TPW)], ids1_v)
    pltpu.sync_copy(p0_hbm.at[pl.ds(base, _TPW)], p0_v)
    pltpu.sync_copy(p1_hbm.at[pl.ds(base, _TPW)], p1_v)
    pltpu.sync_copy(r0_hbm.at[pl.ds(base, _TPW)], r0_v)
    pltpu.sync_copy(r1_hbm.at[pl.ds(base, _TPW)], r1_v)
    pltpu.sync_copy(tot_hbm, tot_v)
    lanes = lax.iota(jnp.int32, 16)
    zeros16 = jnp.zeros((16,), jnp.int32)
    ones16 = jnp.ones((16,), jnp.int32)

    def zero_body(j, carry):
        for u in range(8):
            mask_st[pl.ds((j * 8 + u) * 16, 16)] = zeros16
        return carry


    tot_reg = tot_v[...]

    def body(g, carry):
        sl = pl.ds(g * 16, 16)
        tl = g * 16 + lanes
        ids0 = ids0_v[sl]
        ids1 = ids1_v[sl]
        r0 = r0_v[sl]
        tot1 = lax.gather(
            tot_reg, ids1[:, None],
            lax.GatherDimensionNumbers(offset_dims=(), collapsed_slice_dims=(0,),
                                       start_index_map=(0,)),
            slice_sizes=(1,), mode=lax.GatherScatterMode.PROMISE_IN_BOUNDS)
        r1 = r1_v[sl] + tot1
        keep0 = r0 < float(_CAP)
        keep1 = r1 < float(_CAP)
        o0 = tl * _TOP_K
        o1 = o0 + 1
        plsc.store_scatter(rank_st, [o0], r0.astype(jnp.int32))
        plsc.store_scatter(rank_st, [o1], r1.astype(jnp.int32))
        plsc.store_scatter(idx_st, [o0], ids0)
        plsc.store_scatter(idx_st, [o1], ids1)
        plsc.store_scatter(probs_st, [o0], jnp.where(keep0, p0_v[sl], 0.0))
        plsc.store_scatter(probs_st, [o1], jnp.where(keep1, p1_v[sl], 0.0))
        m0 = tl * (_TOP_K * _N_EXP) + ids0
        m1 = tl * (_TOP_K * _N_EXP) + _N_EXP + ids1
        plsc.store_scatter(mask_st, [m0], ones16, mask=keep0)
        plsc.store_scatter(mask_st, [m1], ones16, mask=keep1)
        return carry


    nmask = _TPW * _TOP_K * _N_EXP
    pltpu.sync_copy(mask_st, mask_hbm.at[pl.ds(wid * nmask, nmask)])
    pltpu.sync_copy(probs_st, probs_hbm.at[pl.ds(base * _TOP_K, _TPW * _TOP_K)])
    pltpu.sync_copy(idx_st, idx_hbm.at[pl.ds(base * _TOP_K, _TPW * _TOP_K)])
    pltpu.sync_copy(rank_st, rank_hbm.at[pl.ds(base * _TOP_K, _TPW * _TOP_K)])


def kernel(x, w_g):
    xf = x.reshape(_N, _N_EMBD)
    wt = w_g.T

    row_spec = pl.BlockSpec((1, 1, _BLK), lambda i: (i, 0, 0))
    tot_spec = pl.BlockSpec((_N_EXP, 1), lambda i: (0, 0))
    row_shape_i = jax.ShapeDtypeStruct((_GRID, 1, _BLK), jnp.int32)
    row_shape_f = jax.ShapeDtypeStruct((_GRID, 1, _BLK), jnp.float32)

    i0, i1, p0, p1, r0, r1p, tot = pl.pallas_call(
        _router_block_kernel,
        grid=(_GRID,),
        in_specs=[
            pl.BlockSpec((_BLK, _N_EMBD), lambda i: (i, 0)),
            pl.BlockSpec((_N_EMBD, _N_EXP), lambda i: (0, 0)),
            pl.BlockSpec((_BLK, _BLK), lambda i: (0, 0)),
        ],
        out_specs=[row_spec, row_spec, row_spec, row_spec, row_spec, row_spec,
                   tot_spec],
        out_shape=[
            row_shape_i, row_shape_i, row_shape_f, row_shape_f,
            row_shape_f, row_shape_f,
            jax.ShapeDtypeStruct((_N_EXP, 1), jnp.float32),
        ],
        scratch_shapes=[
            pltpu.VMEM((_N_EXP, 1), jnp.float32),
            pltpu.VMEM((_N_EXP, 1), jnp.float32),
        ],
        compiler_params=pltpu.CompilerParams(
            dimension_semantics=("arbitrary",),
        ),
    )(xf, wt, jnp.asarray(_UTRI))

    maskf, probsf, idxf, rankf = _sc_finalize(
        i0.reshape(_N), i1.reshape(_N), p0.reshape(_N), p1.reshape(_N),
        r0.reshape(_N), r1p.reshape(_N), tot.reshape(_N_EXP))

    final_expert_mask = maskf.reshape(_N, _TOP_K, _N_EXP)
    router_probs_masked = probsf.reshape(_N, _TOP_K)
    top_k_indices = idxf.reshape(_N, _TOP_K)
    final_rank = rankf.reshape(_N, _TOP_K)
    return final_expert_mask, router_probs_masked, top_k_indices, final_rank

# --- scband reference (transcript-rebuilt; emitter-appended) ---
"""Pipeline reference for scband-router-12051678232640 (READ-ONLY COPY).

The authoritative reference and input builder live on the scoring server;
editing this copy changes nothing except your own understanding.
"""

import jax, jax.numpy as jnp
import numpy as np
import math

TOP_K = 2
N_EXP = 16
N_EMBD = 2048
EVAL_CAPACITY = 2.0
MIN_CAPACITY = 4
B, T = 4, 2048


def setup_inputs(seed: int = 0) -> dict:
    key = jax.random.key(seed)
    k1, k2 = jax.random.split(key)
    x = jax.random.normal(k1, (B, T, N_EMBD), dtype=jnp.float32)
    w_g = jax.random.normal(k2, (N_EXP, N_EMBD), dtype=jnp.float32) * (1.0 / math.sqrt(N_EMBD))
    return {"x": x, "w_g": w_g}


def get_capacity(tokens_per_batch):
    # eval-mode capacity (module not training)
    capacity = math.floor(TOP_K * EVAL_CAPACITY * tokens_per_batch / N_EXP)
    capacity += capacity % 2
    capacity = max(capacity, MIN_CAPACITY)
    assert capacity > 0
    return int(capacity)


def reference(x, w_g):
    Bx, Tx, C = x.shape
    num_tokens = Bx * Tx
    x_flat = x.reshape(num_tokens, C)
    # logits = w_g(x_flat) ; nn.Linear(bias=False) -> x @ W^T
    logits = x_flat @ w_g.T  # [N, n_exp]
    # eval path: plain top-k (no noise, no aux/z losses)
    top_k_logits, top_k_indices = jax.lax.top_k(logits, TOP_K)  # [N, k]
    router_probs = jax.nn.softmax(top_k_logits, axis=-1)  # [N, k]
    exp_capacity = get_capacity(num_tokens)
    # one-hot expert mask [N, k, n_exp]
    expert_mask_one_hot = jax.nn.one_hot(top_k_indices, N_EXP, dtype=jnp.int32)
    # position within expert via cumulative sum in (k-major, token) order
    reshaped_mask = jnp.transpose(expert_mask_one_hot, (1, 0, 2)).reshape(TOP_K * num_tokens, N_EXP)
    cumulative_sum = jnp.cumsum(reshaped_mask, axis=0)
    position_in_expert = jnp.transpose(cumulative_sum.reshape(TOP_K, num_tokens, N_EXP), (1, 0, 2))
    rank = (position_in_expert - 1) * expert_mask_one_hot
    capacity_mask = rank < exp_capacity
    final_expert_mask = expert_mask_one_hot * capacity_mask.astype(jnp.int32)
    probs_mask = (final_expert_mask.sum(axis=-1) > 0)
    router_probs_masked = router_probs * probs_mask.astype(router_probs.dtype)
    final_rank = jnp.sum(rank, axis=-1)
    return (final_expert_mask, router_probs_masked, top_k_indices, final_rank)

if __name__ == "__main__":
    import jax
    _d = setup_inputs()
    print(jax.jit(kernel)(*tuple(_d.values())))

</pallas_src>

<mosaic_0001>
#map = affine_map<(d0, d1) -> (0)>
module attributes {stable_mosaic.version = 14 : i64} {
  func.func @_sc_finalize(%arg0: i32, %arg1: i32, %arg2: memref<8192xi32, #tpu.memory_space<hbm>>, %arg3: memref<8192xi32, #tpu.memory_space<hbm>>, %arg4: memref<8192xf32, #tpu.memory_space<hbm>>, %arg5: memref<8192xf32, #tpu.memory_space<hbm>>, %arg6: memref<8192xf32, #tpu.memory_space<hbm>>, %arg7: memref<8192xf32, #tpu.memory_space<hbm>>, %arg8: memref<16xf32, #tpu.memory_space<hbm>>, %arg9: memref<262144xi32, #tpu.memory_space<hbm>>, %arg10: memref<16384xf32, #tpu.memory_space<hbm>>, %arg11: memref<16384xi32, #tpu.memory_space<hbm>>, %arg12: memref<16384xi32, #tpu.memory_space<hbm>>, %arg13: memref<256xi32, #tpu.memory_space<vmem>>, %arg14: memref<256xi32, #tpu.memory_space<vmem>>, %arg15: memref<256xf32, #tpu.memory_space<vmem>>, %arg16: memref<256xf32, #tpu.memory_space<vmem>>, %arg17: memref<256xf32, #tpu.memory_space<vmem>>, %arg18: memref<256xf32, #tpu.memory_space<vmem>>, %arg19: memref<16xf32, #tpu.memory_space<vmem>>, %arg20: memref<8192xi32, #tpu.memory_space<vmem>>, %arg21: memref<512xf32, #tpu.memory_space<vmem>>, %arg22: memref<512xi32, #tpu.memory_space<vmem>>, %arg23: memref<512xi32, #tpu.memory_space<vmem>>) attributes {dimension_semantics = [#tpu.dimension_semantics<core_parallel>, #tpu.dimension_semantics<subcore_parallel>], iteration_bounds = array<i64: 2, 16>, scalar_prefetch = 0 : i64, scratch_operands = 11 : i64, tpu.core_type = #tpu.core_type<sc_vector_subcore>, window_params = [{transform_indices = #map}, {transform_indices = #map}, {transform_indices = #map}, {transform_indices = #map}, {transform_indices = #map}, {transform_indices = #map}, {transform_indices = #map}, {transform_indices = #map}, {transform_indices = #map}, {transform_indices = #map}, {transform_indices = #map}]} {
    %mul3A = arith.constant 2 : i32
    %mul3A_0 = arith.muli %arg1, %mul3A : i32
    %add3A = arith.addi %mul3A_0, %arg0 : i32
    %mul3A_1 = arith.constant 256 : i32
    %mul3A_2 = arith.muli %add3A, %mul3A_1 : i32
    "tpu.region"() ({
      %run_scoped3A = tpu.sem_alloc : memref<!tpu.dma_semaphore, #tpu.memory_space<semaphore_mem>>
      %dma_start3A = tpu.memref_slice %arg2[%mul3A_2] : memref<8192xi32, #tpu.memory_space<hbm>> -> memref<256xi32, #tpu.memory_space<hbm>>
      %dma_start3A_15 = tpu.memref_slice %arg2[%mul3A_2] : memref<8192xi32, #tpu.memory_space<hbm>> -> memref<256xi32, #tpu.memory_space<hbm>>
      tpu.enqueue_dma source(%dma_start3A_15 : memref<256xi32, #tpu.memory_space<hbm>>) target(%arg13 : memref<256xi32, #tpu.memory_space<vmem>>) target_semaphore(%run_scoped3A : memref<!tpu.dma_semaphore, #tpu.memory_space<semaphore_mem>>)
      %dma_wait3A = tpu.memref_slice %arg2[%mul3A_2] : memref<8192xi32, #tpu.memory_space<hbm>> -> memref<256xi32, #tpu.memory_space<hbm>>
      %dma_wait3A_16 = tpu.memref_slice %arg2[%mul3A_2] : memref<8192xi32, #tpu.memory_space<hbm>> -> memref<256xi32, #tpu.memory_space<hbm>>
      tpu.wait_dma2 semaphore(%run_scoped3A : memref<!tpu.dma_semaphore, #tpu.memory_space<semaphore_mem>>) src(%dma_wait3A_16 : memref<256xi32, #tpu.memory_space<hbm>>) dst(%arg13 : memref<256xi32, #tpu.memory_space<vmem>>)
      tpu.yield
    }) : () -> ()
    "tpu.region"() ({
      %run_scoped3A = tpu.sem_alloc : memref<!tpu.dma_semaphore, #tpu.memory_space<semaphore_mem>>
      %dma_start3A = tpu.memref_slice %arg3[%mul3A_2] : memref<8192xi32, #tpu.memory_space<hbm>> -> memref<256xi32, #tpu.memory_space<hbm>>
      %dma_start3A_15 = tpu.memref_slice %arg3[%mul3A_2] : memref<8192xi32, #tpu.memory_space<hbm>> -> memref<256xi32, #tpu.memory_space<hbm>>
      tpu.enqueue_dma source(%dma_start3A_15 : memref<256xi32, #tpu.memory_space<hbm>>) target(%arg14 : memref<256xi32, #tpu.memory_space<vmem>>) target_semaphore(%run_scoped3A : memref<!tpu.dma_semaphore, #tpu.memory_space<semaphore_mem>>)
      %dma_wait3A = tpu.memref_slice %arg3[%mul3A_2] : memref<8192xi32, #tpu.memory_space<hbm>> -> memref<256xi32, #tpu.memory_space<hbm>>
      %dma_wait3A_16 = tpu.memref_slice %arg3[%mul3A_2] : memref<8192xi32, #tpu.memory_space<hbm>> -> memref<256xi32, #tpu.memory_space<hbm>>
      tpu.wait_dma2 semaphore(%run_scoped3A : memref<!tpu.dma_semaphore, #tpu.memory_space<semaphore_mem>>) src(%dma_wait3A_16 : memref<256xi32, #tpu.memory_space<hbm>>) dst(%arg14 : memref<256xi32, #tpu.memory_space<vmem>>)
      tpu.yield
    }) : () -> ()
    "tpu.region"() ({
      %run_scoped3A = tpu.sem_alloc : memref<!tpu.dma_semaphore, #tpu.memory_space<semaphore_mem>>
      %dma_start3A = tpu.memref_slice %arg4[%mul3A_2] : memref<8192xf32, #tpu.memory_space<hbm>> -> memref<256xf32, #tpu.memory_space<hbm>>
      %dma_start3A_15 = tpu.memref_slice %arg4[%mul3A_2] : memref<8192xf32, #tpu.memory_space<hbm>> -> memref<256xf32, #tpu.memory_space<hbm>>
      tpu.enqueue_dma source(%dma_start3A_15 : memref<256xf32, #tpu.memory_space<hbm>>) target(%arg15 : memref<256xf32, #tpu.memory_space<vmem>>) target_semaphore(%run_scoped3A : memref<!tpu.dma_semaphore, #tpu.memory_space<semaphore_mem>>)
      %dma_wait3A = tpu.memref_slice %arg4[%mul3A_2] : memref<8192xf32, #tpu.memory_space<hbm>> -> memref<256xf32, #tpu.memory_space<hbm>>
      %dma_wait3A_16 = tpu.memref_slice %arg4[%mul3A_2] : memref<8192xf32, #tpu.memory_space<hbm>> -> memref<256xf32, #tpu.memory_space<hbm>>
      tpu.wait_dma2 semaphore(%run_scoped3A : memref<!tpu.dma_semaphore, #tpu.memory_space<semaphore_mem>>) src(%dma_wait3A_16 : memref<256xf32, #tpu.memory_space<hbm>>) dst(%arg15 : memref<256xf32, #tpu.memory_space<vmem>>)
      tpu.yield
    }) : () -> ()
    "tpu.region"() ({
      %run_scoped3A = tpu.sem_alloc : memref<!tpu.dma_semaphore, #tpu.memory_space<semaphore_mem>>
      %dma_start3A = tpu.memref_slice %arg5[%mul3A_2] : memref<8192xf32, #tpu.memory_space<hbm>> -> memref<256xf32, #tpu.memory_space<hbm>>
      %dma_start3A_15 = tpu.memref_slice %arg5[%mul3A_2] : memref<8192xf32, #tpu.memory_space<hbm>> -> memref<256xf32, #tpu.memory_space<hbm>>
      tpu.enqueue_dma source(%dma_start3A_15 : memref<256xf32, #tpu.memory_space<hbm>>) target(%arg16 : memref<256xf32, #tpu.memory_space<vmem>>) target_semaphore(%run_scoped3A : memref<!tpu.dma_semaphore, #tpu.memory_space<semaphore_mem>>)
      %dma_wait3A = tpu.memref_slice %arg5[%mul3A_2] : memref<8192xf32, #tpu.memory_space<hbm>> -> memref<256xf32, #tpu.memory_space<hbm>>
      %dma_wait3A_16 = tpu.memref_slice %arg5[%mul3A_2] : memref<8192xf32, #tpu.memory_space<hbm>> -> memref<256xf32, #tpu.memory_space<hbm>>
      tpu.wait_dma2 semaphore(%run_scoped3A : memref<!tpu.dma_semaphore, #tpu.memory_space<semaphore_mem>>) src(%dma_wait3A_16 : memref<256xf32, #tpu.memory_space<hbm>>) dst(%arg16 : memref<256xf32, #tpu.memory_space<vmem>>)
      tpu.yield
    }) : () -> ()
    "tpu.region"() ({
      %run_scoped3A = tpu.sem_alloc : memref<!tpu.dma_semaphore, #tpu.memory_space<semaphore_mem>>
      %dma_start3A = tpu.memref_slice %arg6[%mul3A_2] : memref<8192xf32, #tpu.memory_space<hbm>> -> memref<256xf32, #tpu.memory_space<hbm>>
      %dma_start3A_15 = tpu.memref_slice %arg6[%mul3A_2] : memref<8192xf32, #tpu.memory_space<hbm>> -> memref<256xf32, #tpu.memory_space<hbm>>
      tpu.enqueue_dma source(%dma_start3A_15 : memref<256xf32, #tpu.memory_space<hbm>>) target(%arg17 : memref<256xf32, #tpu.memory_space<vmem>>) target_semaphore(%run_scoped3A : memref<!tpu.dma_semaphore, #tpu.memory_space<semaphore_mem>>)
      %dma_wait3A = tpu.memref_slice %arg6[%mul3A_2] : memref<8192xf32, #tpu.memory_space<hbm>> -> memref<256xf32, #tpu.memory_space<hbm>>
      %dma_wait3A_16 = tpu.memref_slice %arg6[%mul3A_2] : memref<8192xf32, #tpu.memory_space<hbm>> -> memref<256xf32, #tpu.memory_space<hbm>>
      tpu.wait_dma2 semaphore(%run_scoped3A : memref<!tpu.dma_semaphore, #tpu.memory_space<semaphore_mem>>) src(%dma_wait3A_16 : memref<256xf32, #tpu.memory_space<hbm>>) dst(%arg17 : memref<256xf32, #tpu.memory_space<vmem>>)
      tpu.yield
    }) : () -> ()
    "tpu.region"() ({
      %run_scoped3A = tpu.sem_alloc : memref<!tpu.dma_semaphore, #tpu.memory_space<semaphore_mem>>
      %dma_start3A = tpu.memref_slice %arg7[%mul3A_2] : memref<8192xf32, #tpu.memory_space<hbm>> -> memref<256xf32, #tpu.memory_space<hbm>>
      %dma_start3A_15 = tpu.memref_slice %arg7[%mul3A_2] : memref<8192xf32, #tpu.memory_space<hbm>> -> memref<256xf32, #tpu.memory_space<hbm>>
      tpu.enqueue_dma source(%dma_start3A_15 : memref<256xf32, #tpu.memory_space<hbm>>) target(%arg18 : memref<256xf32, #tpu.memory_space<vmem>>) target_semaphore(%run_scoped3A : memref<!tpu.dma_semaphore, #tpu.memory_space<semaphore_mem>>)
      %dma_wait3A = tpu.memref_slice %arg7[%mul3A_2] : memref<8192xf32, #tpu.memory_space<hbm>> -> memref<256xf32, #tpu.memory_space<hbm>>
      %dma_wait3A_16 = tpu.memref_slice %arg7[%mul3A_2] : memref<8192xf32, #tpu.memory_space<hbm>> -> memref<256xf32, #tpu.memory_space<hbm>>
      tpu.wait_dma2 semaphore(%run_scoped3A : memref<!tpu.dma_semaphore, #tpu.memory_space<semaphore_mem>>) src(%dma_wait3A_16 : memref<256xf32, #tpu.memory_space<hbm>>) dst(%arg18 : memref<256xf32, #tpu.memory_space<vmem>>)
      tpu.yield
    }) : () -> ()
    "tpu.region"() ({
      %run_scoped3A = tpu.sem_alloc : memref<!tpu.dma_semaphore, #tpu.memory_space<semaphore_mem>>
      tpu.enqueue_dma source(%arg8 : memref<16xf32, #tpu.memory_space<hbm>>) target(%arg19 : memref<16xf32, #tpu.memory_space<vmem>>) target_semaphore(%run_scoped3A : memref<!tpu.dma_semaphore, #tpu.memory_space<semaphore_mem>>)
      tpu.wait_dma2 semaphore(%run_scoped3A : memref<!tpu.dma_semaphore, #tpu.memory_space<semaphore_mem>>) src(%arg8 : memref<16xf32, #tpu.memory_space<hbm>>) dst(%arg19 : memref<16xf32, #tpu.memory_space<vmem>>)
      tpu.yield
    }) : () -> ()
    %iota3A = tpu.iota {dimensions = array<i32: 0>} : vector<16xi32>
    %broadcast_in_dim3A = arith.constant 0 : i32
    %broadcast_in_dim3A_3 = vector.broadcast %broadcast_in_dim3A : i32 to vector<16xi32>
    %broadcast_in_dim3A_4 = arith.constant 1 : i32
    %broadcast_in_dim3A_5 = vector.broadcast %broadcast_in_dim3A_4 : i32 to vector<16xi32>
    %get3A = arith.constant 0 : index
    %get3A_6 = tpu.vector_load %arg19[%get3A] {strides = array<i32>} : memref<16xf32, #tpu.memory_space<vmem>>, vector<16xf32>,
    %mul3A_7 = arith.constant 8192 : i32
    %mul3A_8 = arith.muli %add3A, %mul3A_7 : i32
    "tpu.region"() ({
      %run_scoped3A = tpu.sem_alloc : memref<!tpu.dma_semaphore, #tpu.memory_space<semaphore_mem>>
      %dma_start3A = tpu.memref_slice %arg9[%mul3A_8] : memref<262144xi32, #tpu.memory_space<hbm>> -> memref<8192xi32, #tpu.memory_space<hbm>>
      %dma_start3A_15 = tpu.memref_slice %arg9[%mul3A_8] : memref<262144xi32, #tpu.memory_space<hbm>> -> memref<8192xi32, #tpu.memory_space<hbm>>
      tpu.enqueue_dma source(%arg20 : memref<8192xi32, #tpu.memory_space<vmem>>) target(%dma_start3A_15 : memref<8192xi32, #tpu.memory_space<hbm>>) target_semaphore(%run_scoped3A : memref<!tpu.dma_semaphore, #tpu.memory_space<semaphore_mem>>)
      %dma_wait3A = tpu.memref_slice %arg9[%mul3A_8] : memref<262144xi32, #tpu.memory_space<hbm>> -> memref<8192xi32, #tpu.memory_space<hbm>>
      %dma_wait3A_16 = tpu.memref_slice %arg9[%mul3A_8] : memref<262144xi32, #tpu.memory_space<hbm>> -> memref<8192xi32, #tpu.memory_space<hbm>>
      tpu.wait_dma2 semaphore(%run_scoped3A : memref<!tpu.dma_semaphore, #tpu.memory_space<semaphore_mem>>) src(%arg20 : memref<8192xi32, #tpu.memory_space<vmem>>) dst(%dma_wait3A_16 : memref<8192xi32, #tpu.memory_space<hbm>>)
      tpu.yield
    }) : () -> ()
    %mul3A_9 = arith.constant 2 : i32
    %mul3A_10 = arith.muli %mul3A_2, %mul3A_9 : i32
    "tpu.region"() ({
      %run_scoped3A = tpu.sem_alloc : memref<!tpu.dma_semaphore, #tpu.memory_space<semaphore_mem>>
      %dma_start3A = tpu.memref_slice %arg10[%mul3A_10] : memref<16384xf32, #tpu.memory_space<hbm>> -> memref<512xf32, #tpu.memory_space<hbm>>
      %dma_start3A_15 = tpu.memref_slice %arg10[%mul3A_10] : memref<16384xf32, #tpu.memory_space<hbm>> -> memref<512xf32, #tpu.memory_space<hbm>>
      tpu.enqueue_dma source(%arg21 : memref<512xf32, #tpu.memory_space<vmem>>) target(%dma_start3A_15 : memref<512xf32, #tpu.memory_space<hbm>>) target_semaphore(%run_scoped3A : memref<!tpu.dma_semaphore, #tpu.memory_space<semaphore_mem>>)
      %dma_wait3A = tpu.memref_slice %arg10[%mul3A_10] : memref<16384xf32, #tpu.memory_space<hbm>> -> memref<512xf32, #tpu.memory_space<hbm>>
      %dma_wait3A_16 = tpu.memref_slice %arg10[%mul3A_10] : memref<16384xf32, #tpu.memory_space<hbm>> -> memref<512xf32, #tpu.memory_space<hbm>>
      tpu.wait_dma2 semaphore(%run_scoped3A : memref<!tpu.dma_semaphore, #tpu.memory_space<semaphore_mem>>) src(%arg21 : memref<512xf32, #tpu.memory_space<vmem>>) dst(%dma_wait3A_16 : memref<512xf32, #tpu.memory_space<hbm>>)
      tpu.yield
    }) : () -> ()
    %mul3A_11 = arith.constant 2 : i32
    %mul3A_12 = arith.muli %mul3A_2, %mul3A_11 : i32
    "tpu.region"() ({
      %run_scoped3A = tpu.sem_alloc : memref<!tpu.dma_semaphore, #tpu.memory_space<semaphore_mem>>
      %dma_start3A = tpu.memref_slice %arg11[%mul3A_12] : memref<16384xi32, #tpu.memory_space<hbm>> -> memref<512xi32, #tpu.memory_space<hbm>>
      %dma_start3A_15 = tpu.memref_slice %arg11[%mul3A_12] : memref<16384xi32, #tpu.memory_space<hbm>> -> memref<512xi32, #tpu.memory_space<hbm>>
      tpu.enqueue_dma source(%arg22 : memref<512xi32, #tpu.memory_space<vmem>>) target(%dma_start3A_15 : memref<512xi32, #tpu.memory_space<hbm>>) target_semaphore(%run_scoped3A : memref<!tpu.dma_semaphore, #tpu.memory_space<semaphore_mem>>)
      %dma_wait3A = tpu.memref_slice %arg11[%mul3A_12] : memref<16384xi32, #tpu.memory_space<hbm>> -> memref<512xi32, #tpu.memory_space<hbm>>
      %dma_wait3A_16 = tpu.memref_slice %arg11[%mul3A_12] : memref<16384xi32, #tpu.memory_space<hbm>> -> memref<512xi32, #tpu.memory_space<hbm>>
      tpu.wait_dma2 semaphore(%run_scoped3A : memref<!tpu.dma_semaphore, #tpu.memory_space<semaphore_mem>>) src(%arg22 : memref<512xi32, #tpu.memory_space<vmem>>) dst(%dma_wait3A_16 : memref<512xi32, #tpu.memory_space<hbm>>)
      tpu.yield
    }) : () -> ()
    %mul3A_13 = arith.constant 2 : i32
    %mul3A_14 = arith.muli %mul3A_2, %mul3A_13 : i32
    "tpu.region"() ({
      %run_scoped3A = tpu.sem_alloc : memref<!tpu.dma_semaphore, #tpu.memory_space<semaphore_mem>>
      %dma_start3A = tpu.memref_slice %arg12[%mul3A_14] : memref<16384xi32, #tpu.memory_space<hbm>> -> memref<512xi32, #tpu.memory_space<hbm>>
      %dma_start3A_15 = tpu.memref_slice %arg12[%mul3A_14] : memref<16384xi32, #tpu.memory_space<hbm>> -> memref<512xi32, #tpu.memory_space<hbm>>
      tpu.enqueue_dma source(%arg23 : memref<512xi32, #tpu.memory_space<vmem>>) target(%dma_start3A_15 : memref<512xi32, #tpu.memory_space<hbm>>) target_semaphore(%run_scoped3A : memref<!tpu.dma_semaphore, #tpu.memory_space<semaphore_mem>>)
      %dma_wait3A = tpu.memref_slice %arg12[%mul3A_14] : memref<16384xi32, #tpu.memory_space<hbm>> -> memref<512xi32, #tpu.memory_space<hbm>>
      %dma_wait3A_16 = tpu.memref_slice %arg12[%mul3A_14] : memref<16384xi32, #tpu.memory_space<hbm>> -> memref<512xi32, #tpu.memory_space<hbm>>
      tpu.wait_dma2 semaphore(%run_scoped3A : memref<!tpu.dma_semaphore, #tpu.memory_space<semaphore_mem>>) src(%arg23 : memref<512xi32, #tpu.memory_space<vmem>>) dst(%dma_wait3A_16 : memref<512xi32, #tpu.memory_space<hbm>>)
      tpu.yield
    }) : () -> ()
    return
  }
}

module attributes {stable_mosaic.version = 14 : i64} {
  func.func @_router_block_kernel(%arg0: i32, %arg1: memref<512x2048xf32, #tpu.memory_space<vmem>>, %arg2: memref<2048x16xf32, #tpu.memory_space<vmem>>, %arg3: memref<512x512xbf16, #tpu.memory_space<vmem>>, %arg4: memref<1x1x512xi32, #tpu.memory_space<vmem>>, %arg5: memref<1x1x512xi32, #tpu.memory_space<vmem>>, %arg6: memref<1x1x512xf32, #tpu.memory_space<vmem>>, %arg7: memref<1x1x512xf32, #tpu.memory_space<vmem>>, %arg8: memref<1x1x512xf32, #tpu.memory_space<vmem>>, %arg9: memref<1x1x512xf32, #tpu.memory_space<vmem>>, %arg10: memref<16x1xf32, #tpu.memory_space<vmem>>, %arg11: memref<16x1xf32, #tpu.memory_space<vmem>>, %arg12: memref<16x1xf32, #tpu.memory_space<vmem>>) attributes {dimension_semantics = [#tpu.dimension_semantics<arbitrary>], iteration_bounds = array<i64: 16>, scalar_prefetch = 0 : i64, scratch_operands = 2 : i64, tpu.core_type = #tpu.core_type<tc>, window_params = [{transform_indices = @transform_0, window_bounds = array<i64: 512, 2048>}, {pipeline_mode = #tpu.pipeline_mode<synchronous>, transform_indices = @transform_1, window_bounds = array<i64: 2048, 16>}, {pipeline_mode = #tpu.pipeline_mode<synchronous>, transform_indices = @transform_2, window_bounds = array<i64: 512, 512>}, {transform_indices = @transform_3, window_bounds = array<i64: 1, 1, 512>}, {transform_indices = @transform_4, window_bounds = array<i64: 1, 1, 512>}, {transform_indices = @transform_5, window_bounds = array<i64: 1, 1, 512>}, {transform_indices = @transform_6, window_bounds = array<i64: 1, 1, 512>}, {transform_indices = @transform_7, window_bounds = array<i64: 1, 1, 512>}, {transform_indices = @transform_8, window_bounds = array<i64: 1, 1, 512>}, {pipeline_mode = #tpu.pipeline_mode<synchronous>, transform_indices = @transform_9, window_bounds = array<i64: 16, 1>}]} {
    %eq3A = arith.constant 0 : i32
    %eq3A_0 = arith.cmpi eq, %arg0, %eq3A : i32
    %convert_element_type3A = arith.extui %eq3A_0 : i1 to i32
    %cond3A = arith.constant 0 : i32
    %cond3A_1 = arith.cmpi ne, %convert_element_type3A, %cond3A : i32
    scf.if %cond3A_1 {
      %broadcast_in_dim3A_124 = arith.constant 0.000000e+00 : f32
      %broadcast_in_dim3A_125 = vector.broadcast %broadcast_in_dim3A_124 : f32 to vector<16x1xf32>
      %swap3A_126 = arith.constant 0 : index
      %swap3A_127 = arith.constant 0 : index
      %swap3A_128 = vector.load %arg11[%swap3A_126, %swap3A_127] : memref<16x1xf32, #tpu.memory_space<vmem>>, vector<16x1xf32>
      tpu.vector_store %arg11[%swap3A_126, %swap3A_127], %broadcast_in_dim3A_125 {strides = array<i32>} : memref<16x1xf32, #tpu.memory_space<vmem>>, vector<16x1xf32>,
      %broadcast_in_dim3A_129 = arith.constant 0.000000e+00 : f32
      %broadcast_in_dim3A_130 = vector.broadcast %broadcast_in_dim3A_129 : f32 to vector<16x1xf32>
      %swap3A_131 = arith.constant 0 : index
      %swap3A_132 = arith.constant 0 : index
      %swap3A_133 = vector.load %arg12[%swap3A_131, %swap3A_132] : memref<16x1xf32, #tpu.memory_space<vmem>>, vector<16x1xf32>
      tpu.vector_store %arg12[%swap3A_131, %swap3A_132], %broadcast_in_dim3A_130 {strides = array<i32>} : memref<16x1xf32, #tpu.memory_space<vmem>>, vector<16x1xf32>,
    } else {
    }
    %get3A = arith.constant 0 : index
    %get3A_2 = arith.constant 0 : index
    %get3A_3 = vector.load %arg1[%get3A, %get3A_2] : memref<512x2048xf32, #tpu.memory_space<vmem>>, vector<512x2048xf32>
    %get3A_4 = arith.constant 0 : index
    %get3A_5 = arith.constant 0 : index
    %get3A_6 = vector.load %arg2[%get3A_4, %get3A_5] : memref<2048x16xf32, #tpu.memory_space<vmem>>, vector<2048x16xf32>
    %dot_general3A = arith.constant dense<0.000000e+00> : vector<512x16xf32>
    %dot_general3A_7 = tpu.matmul %get3A_3, %get3A_6, %dot_general3A {dimension_numbers = #tpu.dot_dimension_numbers<[1], [0], [0], [1], [0, 0, 1, 1], [], []>, transpose_lhs_hint = false} : vector<512x2048xf32>, vector<2048x16xf32>, vector<512x16xf32> -> vector<512x16xf32>
    %transpose3A = tpu.transpose %dot_general3A_7, [1, 0] : vector<512x16xf32> -> vector<16x512xf32>
    %iota3A = tpu.iota {dimensions = array<i32: 0>} : vector<16x512xi32>
    %reduce_max3A = arith.constant dense<0xFF800000> : vector<512xf32>
    %reduce_max3A_8 = vector.multi_reduction <maximumf>, %transpose3A, %reduce_max3A [0] : vector<16x512xf32> to vector<512xf32>
    %broadcast_in_dim3A = vector.shape_cast %reduce_max3A_8 : vector<512xf32> to vector<1x512xf32>
    %eq3A_9 = vector.broadcast %broadcast_in_dim3A : vector<1x512xf32> to vector<16x512xf32>
    %eq3A_10 = arith.cmpf oeq, %transpose3A, %eq3A_9 : vector<16x512xf32>
    %jit3A = arith.constant 16 : i32
    %broadcast_in_dim3A_11 = vector.broadcast %jit3A : i32 to vector<16x512xi32>
    %select_n3A = arith.select %eq3A_10, %iota3A, %broadcast_in_dim3A_11 : vector<16x512xi1>, vector<16x512xi32>
    %reduce_min3A = arith.constant dense<2147483647> : vector<512xi32>
    %reduce_min3A_12 = vector.multi_reduction <minsi>, %select_n3A, %reduce_min3A [0] : vector<16x512xi32> to vector<512xi32>
    %broadcast_in_dim3A_13 = vector.shape_cast %reduce_min3A_12 : vector<512xi32> to vector<1x512xi32>
    %eq3A_14 = vector.broadcast %broadcast_in_dim3A_13 : vector<1x512xi32> to vector<16x512xi32>
    %eq3A_15 = arith.cmpi eq, %iota3A, %eq3A_14 : vector<16x512xi32>
    %jit3A_16 = arith.constant 0xFF800000 : f32
    %broadcast_in_dim3A_17 = vector.broadcast %jit3A_16 : f32 to vector<16x512xf32>
    %select_n3A_18 = arith.select %eq3A_15, %broadcast_in_dim3A_17, %transpose3A : vector<16x512xi1>, vector<16x512xf32>
    %reduce_max3A_19 = arith.constant dense<0xFF800000> : vector<512xf32>
    %reduce_max3A_20 = vector.multi_reduction <maximumf>, %select_n3A_18, %reduce_max3A_19 [0] : vector<16x512xf32> to vector<512xf32>
    %broadcast_in_dim3A_21 = vector.shape_cast %reduce_max3A_20 : vector<512xf32> to vector<1x512xf32>
    %eq3A_22 = vector.broadcast %broadcast_in_dim3A_21 : vector<1x512xf32> to vector<16x512xf32>
    %eq3A_23 = arith.cmpf oeq, %select_n3A_18, %eq3A_22 : vector<16x512xf32>
    %jit3A_24 = arith.constant 16 : i32
    %broadcast_in_dim3A_25 = vector.broadcast %jit3A_24 : i32 to vector<16x512xi32>
    %select_n3A_26 = arith.select %eq3A_23, %iota3A, %broadcast_in_dim3A_25 : vector<16x512xi1>, vector<16x512xi32>
    %reduce_min3A_27 = arith.constant dense<2147483647> : vector<512xi32>
    %reduce_min3A_28 = vector.multi_reduction <minsi>, %select_n3A_26, %reduce_min3A_27 [0] : vector<16x512xi32> to vector<512xi32>
    %broadcast_in_dim3A_29 = vector.shape_cast %reduce_min3A_28 : vector<512xi32> to vector<1x512xi32>
    %sub3A = arith.subf %broadcast_in_dim3A_21, %broadcast_in_dim3A : vector<1x512xf32>
    %exp3A = math.exp %sub3A : vector<1x512xf32>
    %add3A = arith.constant 1.000000e+00 : f32
    %add3A_30 = vector.broadcast %add3A : f32 to vector<1x512xf32>
    %add3A_31 = arith.addf %add3A_30, %exp3A : vector<1x512xf32>
    %eq3A_32 = vector.broadcast %broadcast_in_dim3A_13 : vector<1x512xi32> to vector<16x512xi32>
    %eq3A_33 = arith.cmpi eq, %iota3A, %eq3A_32 : vector<16x512xi32>
    %convert_element_type3A_34 = arith.extui %eq3A_33 : vector<16x512xi1> to vector<16x512xi32>
    %convert_element_type3A_35 = arith.sitofp %convert_element_type3A_34 : vector<16x512xi32> to vector<16x512xf32>
    %convert_element_type3A_36 = arith.truncf %convert_element_type3A_35 : vector<16x512xf32> to vector<16x512xbf16>
    %eq3A_37 = vector.broadcast %broadcast_in_dim3A_29 : vector<1x512xi32> to vector<16x512xi32>
    %eq3A_38 = arith.cmpi eq, %iota3A, %eq3A_37 : vector<16x512xi32>
    %convert_element_type3A_39 = arith.extui %eq3A_38 : vector<16x512xi1> to vector<16x512xi32>
    %convert_element_type3A_40 = arith.sitofp %convert_element_type3A_39 : vector<16x512xi32> to vector<16x512xf32>
    %convert_element_type3A_41 = arith.truncf %convert_element_type3A_40 : vector<16x512xf32> to vector<16x512xbf16>
    %get3A_42 = arith.constant 0 : index
    %get3A_43 = arith.constant 0 : index
    %get3A_44 = vector.load %arg3[%get3A_42, %get3A_43] : memref<512x512xbf16, #tpu.memory_space<vmem>>, vector<512x512xbf16>
    %dot_general3A_45 = arith.constant dense<0.000000e+00> : vector<16x512xf32>
    %dot_general3A_46 = tpu.matmul %convert_element_type3A_36, %get3A_44, %dot_general3A_45 {dimension_numbers = #tpu.dot_dimension_numbers<[1], [0], [0], [1], [0, 0, 1, 1], [], []>, transpose_lhs_hint = false} : vector<16x512xbf16>, vector<512x512xbf16>, vector<16x512xf32> -> vector<16x512xf32>
    %dot_general3A_47 = arith.constant dense<0.000000e+00> : vector<16x512xf32>
    %dot_general3A_48 = tpu.matmul %convert_element_type3A_41, %get3A_44, %dot_general3A_47 {dimension_numbers = #tpu.dot_dimension_numbers<[1], [0], [0], [1], [0, 0, 1, 1], [], []>, transpose_lhs_hint = false} : vector<16x512xbf16>, vector<512x512xbf16>, vector<16x512xf32> -> vector<16x512xf32>
    %convert_element_type3A_49 = arith.extf %convert_element_type3A_36 : vector<16x512xbf16> to vector<16x512xf32>
    %convert_element_type3A_50 = arith.extf %convert_element_type3A_41 : vector<16x512xbf16> to vector<16x512xf32>
    %get3A_51 = arith.constant 0 : index
    %get3A_52 = arith.constant 0 : index
    %get3A_53 = vector.load %arg11[%get3A_51, %get3A_52] : memref<16x1xf32, #tpu.memory_space<vmem>>, vector<16x1xf32>
    %add3A_54 = vector.broadcast %get3A_53 : vector<16x1xf32> to vector<16x512xf32>
    %add3A_55 = arith.addf %add3A_54, %dot_general3A_46 : vector<16x512xf32>
    %mul3A = arith.mulf %add3A_55, %convert_element_type3A_49 : vector<16x512xf32>
    %reduce_sum3A = arith.constant dense<0.000000e+00> : vector<512xf32>
    %reduce_sum3A_56 = vector.multi_reduction <add>, %mul3A, %reduce_sum3A [0] : vector<16x512xf32> to vector<512xf32>
    %broadcast_in_dim3A_57 = vector.shape_cast %reduce_sum3A_56 : vector<512xf32> to vector<1x512xf32>
    %get3A_58 = arith.constant 0 : index
    %get3A_59 = arith.constant 0 : index
    %get3A_60 = vector.load %arg12[%get3A_58, %get3A_59] : memref<16x1xf32, #tpu.memory_space<vmem>>, vector<16x1xf32>
    %add3A_61 = vector.broadcast %get3A_60 : vector<16x1xf32> to vector<16x512xf32>
    %add3A_62 = arith.addf %add3A_61, %dot_general3A_48 : vector<16x512xf32>
    %mul3A_63 = arith.mulf %add3A_62, %convert_element_type3A_50 : vector<16x512xf32>
    %reduce_sum3A_64 = arith.constant dense<0.000000e+00> : vector<512xf32>
    %reduce_sum3A_65 = vector.multi_reduction <add>, %mul3A_63, %reduce_sum3A_64 [0] : vector<16x512xf32> to vector<512xf32>
    %broadcast_in_dim3A_66 = vector.shape_cast %reduce_sum3A_65 : vector<512xf32> to vector<1x512xf32>
    %get3A_67 = arith.constant 0 : index
    %get3A_68 = arith.constant 0 : index
    %get3A_69 = vector.load %arg11[%get3A_67, %get3A_68] : memref<16x1xf32, #tpu.memory_space<vmem>>, vector<16x1xf32>
    %reduce_sum3A_70 = arith.constant dense<0.000000e+00> : vector<16xf32>
    %reduce_sum3A_71 = vector.multi_reduction <add>, %convert_element_type3A_49, %reduce_sum3A_70 [1] : vector<16x512xf32> to vector<16xf32>
    %broadcast_in_dim3A_72 = vector.shape_cast %reduce_sum3A_71 : vector<16xf32> to vector<16x1xf32>
    %add3A_73 = arith.addf %get3A_69, %broadcast_in_dim3A_72 : vector<16x1xf32>
    %swap3A = arith.constant 0 : index
    %swap3A_74 = arith.constant 0 : index
    %swap3A_75 = vector.load %arg11[%swap3A, %swap3A_74] : memref<16x1xf32, #tpu.memory_space<vmem>>, vector<16x1xf32>
    tpu.vector_store %arg11[%swap3A, %swap3A_74], %add3A_73 {strides = array<i32>} : memref<16x1xf32, #tpu.memory_space<vmem>>, vector<16x1xf32>,
    %get3A_76 = arith.constant 0 : index
    %get3A_77 = arith.constant 0 : index
    %get3A_78 = vector.load %arg12[%get3A_76, %get3A_77] : memref<16x1xf32, #tpu.memory_space<vmem>>, vector<16x1xf32>
    %reduce_sum3A_79 = arith.constant dense<0.000000e+00> : vector<16xf32>
    %reduce_sum3A_80 = vector.multi_reduction <add>, %convert_element_type3A_50, %reduce_sum3A_79 [1] : vector<16x512xf32> to vector<16xf32>
    %broadcast_in_dim3A_81 = vector.shape_cast %reduce_sum3A_80 : vector<16xf32> to vector<16x1xf32>
    %add3A_82 = arith.addf %get3A_78, %broadcast_in_dim3A_81 : vector<16x1xf32>
    %swap3A_83 = arith.constant 0 : index
    %swap3A_84 = arith.constant 0 : index
    %swap3A_85 = vector.load %arg12[%swap3A_83, %swap3A_84] : memref<16x1xf32, #tpu.memory_space<vmem>>, vector<16x1xf32>
    tpu.vector_store %arg12[%swap3A_83, %swap3A_84], %add3A_82 {strides = array<i32>} : memref<16x1xf32, #tpu.memory_space<vmem>>, vector<16x1xf32>,
    %reshape3A = vector.shape_cast %broadcast_in_dim3A_13 : vector<1x512xi32> to vector<1x1x512xi32>
    %swap3A_86 = arith.constant 0 : index
    %swap3A_87 = arith.constant 0 : index
    %swap3A_88 = arith.constant 0 : index
    %swap3A_89 = vector.load %arg4[%swap3A_86, %swap3A_87, %swap3A_88] : memref<1x1x512xi32, #tpu.memory_space<vmem>>, vector<1x1x512xi32>
    tpu.vector_store %arg4[%swap3A_86, %swap3A_87, %swap3A_88], %reshape3A {strides = array<i32>} : memref<1x1x512xi32, #tpu.memory_space<vmem>>, vector<1x1x512xi32>,
    %reshape3A_90 = vector.shape_cast %broadcast_in_dim3A_29 : vector<1x512xi32> to vector<1x1x512xi32>
    %swap3A_91 = arith.constant 0 : index
    %swap3A_92 = arith.constant 0 : index
    %swap3A_93 = arith.constant 0 : index
    %swap3A_94 = vector.load %arg5[%swap3A_91, %swap3A_92, %swap3A_93] : memref<1x1x512xi32, #tpu.memory_space<vmem>>, vector<1x1x512xi32>
    tpu.vector_store %arg5[%swap3A_91, %swap3A_92, %swap3A_93], %reshape3A_90 {strides = array<i32>} : memref<1x1x512xi32, #tpu.memory_space<vmem>>, vector<1x1x512xi32>,
    %div3A = arith.constant 1.000000e+00 : f32
    %div3A_95 = vector.broadcast %div3A : f32 to vector<1x512xf32>
    %div3A_96 = arith.divf %div3A_95, %add3A_31 : vector<1x512xf32>
    %reshape3A_97 = vector.shape_cast %div3A_96 : vector<1x512xf32> to vector<1x1x512xf32>
    %swap3A_98 = arith.constant 0 : index
    %swap3A_99 = arith.constant 0 : index
    %swap3A_100 = arith.constant 0 : index
    %swap3A_101 = vector.load %arg6[%swap3A_98, %swap3A_99, %swap3A_100] : memref<1x1x512xf32, #tpu.memory_space<vmem>>, vector<1x1x512xf32>
    tpu.vector_store %arg6[%swap3A_98, %swap3A_99, %swap3A_100], %reshape3A_97 {strides = array<i32>} : memref<1x1x512xf32, #tpu.memory_space<vmem>>, vector<1x1x512xf32>,
    %div3A_102 = arith.divf %exp3A, %add3A_31 : vector<1x512xf32>
    %reshape3A_103 = vector.shape_cast %div3A_102 : vector<1x512xf32> to vector<1x1x512xf32>
    %swap3A_104 = arith.constant 0 : index
    %swap3A_105 = arith.constant 0 : index
    %swap3A_106 = arith.constant 0 : index
    %swap3A_107 = vector.load %arg7[%swap3A_104, %swap3A_105, %swap3A_106] : memref<1x1x512xf32, #tpu.memory_space<vmem>>, vector<1x1x512xf32>
    tpu.vector_store %arg7[%swap3A_104, %swap3A_105, %swap3A_106], %reshape3A_103 {strides = array<i32>} : memref<1x1x512xf32, #tpu.memory_space<vmem>>, vector<1x1x512xf32>,
    %reshape3A_108 = vector.shape_cast %broadcast_in_dim3A_57 : vector<1x512xf32> to vector<1x1x512xf32>
    %swap3A_109 = arith.constant 0 : index
    %swap3A_110 = arith.constant 0 : index
    %swap3A_111 = arith.constant 0 : index
    %swap3A_112 = vector.load %arg8[%swap3A_109, %swap3A_110, %swap3A_111] : memref<1x1x512xf32, #tpu.memory_space<vmem>>, vector<1x1x512xf32>
    tpu.vector_store %arg8[%swap3A_109, %swap3A_110, %swap3A_111], %reshape3A_108 {strides = array<i32>} : memref<1x1x512xf32, #tpu.memory_space<vmem>>, vector<1x1x512xf32>,
    %reshape3A_113 = vector.shape_cast %broadcast_in_dim3A_66 : vector<1x512xf32> to vector<1x1x512xf32>
    %swap3A_114 = arith.constant 0 : index
    %swap3A_115 = arith.constant 0 : index
    %swap3A_116 = arith.constant 0 : index
    %swap3A_117 = vector.load %arg9[%swap3A_114, %swap3A_115, %swap3A_116] : memref<1x1x512xf32, #tpu.memory_space<vmem>>, vector<1x1x512xf32>
    tpu.vector_store %arg9[%swap3A_114, %swap3A_115, %swap3A_116], %reshape3A_113 {strides = array<i32>} : memref<1x1x512xf32, #tpu.memory_space<vmem>>, vector<1x1x512xf32>,
    %get3A_118 = arith.constant 0 : index
    %get3A_119 = arith.constant 0 : index
    %get3A_120 = vector.load %arg11[%get3A_118, %get3A_119] : memref<16x1xf32, #tpu.memory_space<vmem>>, vector<16x1xf32>
    %swap3A_121 = arith.constant 0 : index
    %swap3A_122 = arith.constant 0 : index
    %swap3A_123 = vector.load %arg10[%swap3A_121, %swap3A_122] : memref<16x1xf32, #tpu.memory_space<vmem>>, vector<16x1xf32>
    tpu.vector_store %arg10[%swap3A_121, %swap3A_122], %get3A_120 {strides = array<i32>} : memref<16x1xf32, #tpu.memory_space<vmem>>, vector<16x1xf32>,
    return
  }
  func.func @transform_0(%arg0: i32) -> (i32, i32) {
    %c0_i32 = arith.constant 0 : i32
    %c0_i32_0 = arith.constant 0 : i32
    return %arg0, %c0_i32 : i32, i32
  }
  func.func @transform_1(%arg0: i32) -> (i32, i32) {
    %c0_i32 = arith.constant 0 : i32
    %c0_i32_0 = arith.constant 0 : i32
    %c0_i32_1 = arith.constant 0 : i32
    return %c0_i32, %c0_i32_0 : i32, i32
  }
  func.func @transform_2(%arg0: i32) -> (i32, i32) {
    %c0_i32 = arith.constant 0 : i32
    %c0_i32_0 = arith.constant 0 : i32
    %c0_i32_1 = arith.constant 0 : i32
    return %c0_i32, %c0_i32_0 : i32, i32
  }
  func.func @transform_3(%arg0: i32) -> (i32, i32, i32) {
    %c0_i32 = arith.constant 0 : i32
    %c0_i32_0 = arith.constant 0 : i32
    %c0_i32_1 = arith.constant 0 : i32
    return %arg0, %c0_i32, %c0_i32_0 : i32, i32, i32
  }
  func.func @transform_4(%arg0: i32) -> (i32, i32, i32) {
    %c0_i32 = arith.constant 0 : i32
    %c0_i32_0 = arith.constant 0 : i32
    %c0_i32_1 = arith.constant 0 : i32
    return %arg0, %c0_i32, %c0_i32_0 : i32, i32, i32
  }
  func.func @transform_5(%arg0: i32) -> (i32, i32, i32) {
    %c0_i32 = arith.constant 0 : i32
    %c0_i32_0 = arith.constant 0 : i32
    %c0_i32_1 = arith.constant 0 : i32
    return %arg0, %c0_i32, %c0_i32_0 : i32, i32, i32
  }
  func.func @transform_6(%arg0: i32) -> (i32, i32, i32) {
    %c0_i32 = arith.constant 0 : i32
    %c0_i32_0 = arith.constant 0 : i32
    %c0_i32_1 = arith.constant 0 : i32
    return %arg0, %c0_i32, %c0_i32_0 : i32, i32, i32
  }
  func.func @transform_7(%arg0: i32) -> (i32, i32, i32) {
    %c0_i32 = arith.constant 0 : i32
    %c0_i32_0 = arith.constant 0 : i32
    %c0_i32_1 = arith.constant 0 : i32
    return %arg0, %c0_i32, %c0_i32_0 : i32, i32, i32
  }
  func.func @transform_8(%arg0: i32) -> (i32, i32, i32) {
    %c0_i32 = arith.constant 0 : i32
    %c0_i32_0 = arith.constant 0 : i32
    %c0_i32_1 = arith.constant 0 : i32
    return %arg0, %c0_i32, %c0_i32_0 : i32, i32, i32
  }
  func.func @transform_9(%arg0: i32) -> (i32, i32) {
    %c0_i32 = arith.constant 0 : i32
    %c0_i32_0 = arith.constant 0 : i32
    %c0_i32_1 = arith.constant 0 : i32
    return %c0_i32, %c0_i32_0 : i32, i32
  }
}

</mosaic_0001>

<sc_bundles>
// kernel: kernel.4.cloned.1.call-start
scs
__scs_entry_jumppad:
0x0: {  	(pc) =	sbr.rel $0x88, $3  }
0x1: {  	(tag) =	ssettag $0x0;
	lr =	simm.s32 $0x1  }
0x2: {  	[smem:$0x3F9F] =	sst lr;
	_ =	strace $0xD0000000  }
0x3: {  	_ = 	snop  }
0x4: {  	_ = 	snop  }
0x5: {  	_ = 	snop  }
0x6: {  	_ = 	snop  }
0x7: {  	_ = 	snop  }
__scs_overlays_trampoline_lowered:
0x8: {  	[smem:$0x3FAE] =	sst s0  }
0x9: {  	[smem:$0x3FAF] =	sst s1  }
0xa: {  	[smem:$0x3FB0] =	sst s2  }
0xb: {  	[smem:$0x3FB1] =	sst s3  }
0xc: {  	[smem:$0x3FB2] =	sst s4  }
0xd: {  	[smem:$0x3FB3] =	sst s5  }
0xe: {  	[smem:$0x3FB4] =	sst s6  }
0xf: {  	[smem:$0x3FB5] =	sst s7  }
0x10: {  	[smem:$0x3FB6] =	sst s8  }
0x11: {  	[smem:$0x3FB7] =	sst s9;
	s0 =	simm.s32 @!p0 $0x0  }
0x12: {  	s1 =	sld [smem:$0x3F9D];
	s0 =	simm.s32 @p0 $0x1  }
0x13: {  	[smem:$0x3FB8] =	sst s0;
	s0 =	simm.s32 @!p1 $0x0  }
0x14: {  	s2 =	sld [smem:$0x3F9C];
	s0 =	simm.s32 @p1 $0x1  }
0x15: {  	[smem:$0x3FB9] =	sst s0;
	s0 =	simm.s32 @!p2 $0x0  }
0x16: {  	s3 =	sld [smem:$0x3FDB];
	s0 =	simm.s32 @p2 $0x1  }
0x17: {  	s4 =	simm.s32 $0x1BF5;
	[smem:$0x3FBB] =	sst s0  }
0x18: {  	s0 =	sld [smem:$0x3F9E];
	_ =	swait.ge [sflag:s4], $0x0  }
0x19: {  	s7 =	sld [smem:$0x3F9F]  }
0x1a: {  	s8 =	sadd.s32 $0xFFFFE003, lr  }
0x1b: {  	s9 =	sadd.s32 $0xFFFFFEF7, lr;
	s5 =	simm.s32 $0xFFFFFFFF;
	p2 =	slt.u32 s8, $0xFFFFF086  }
0x1c: {  	p1 =	slt.u32 s9, $0xF7A;
	s5 =	simm.s32 @!p2 $0x0  }
0x1d: {  	s5 =	simm.s32 @p1 $0x1;
	p0 =	seq.s32 s7, s2  }
0x1e: {  	s7 =	smul.u32 @!p0 $0xF7A, s2;
	p2 =	seq.s32 @!p0 s5, $0x0  }
0x1f: {  	s9 =	smul.u32 $0xF7A, s1;
	s8 =	simm.s32 @!p0 $0x1BF5;
	p2 =	por !p2, p0  }
0x20: {  	[sflag:s8] =	ssyncset.s32 @!p0 $0xFFFFF086;
	s6 =	sadd.s32 @!p0 s3, s7;
	s7 =	simm.s32 @!p0 $0x108  }
0x21: {  	s3 =	sadd.s32 s3, s9;
	s6 =	sadd.s32 @!p0 $0x88, s6;
	s7 =	simm.s32 @p2 $0x1082  }
0x22: {  	[simem:s7], [sflag:s8] =	dma.local @!p0 [hbm:s6], $0xF7A  }
0x23: {  	s9 =	sor.u32 $0xD0000000, s2;
	s6 =	simm.s32 $0x108;
	_ =	swait.ge @!p0 [sflag:s8], $0x0  }
0x24: {  	s3 =	sadd.s32 $0x88, s3;
	s6 =	simm.s32 @!p1 $0x1082;
	[sflag:s4] =	ssyncset.s32 $0xFFFFF086  }
0x25: {  	[simem:s6], [sflag:s4] =	dma.local [hbm:s3], $0xF7A  }
0x26: {  	[smem:$0x3F9F] =	sst s1;
	(tag) =	ssettag s2;
	_ =	strace s9  }
0x27: {  	s1 =	sld [smem:$0x3FAF]  }
0x28: {  	s2 =	sld [smem:$0x3FB0]  }
0x29: {  	s4 =	sld [smem:$0x3FB2]  }
0x2a: {  	p0 =	seq.s32 s5, $0x0;
	s5 =	sld [smem:$0x3FB3]  }
0x2b: {  	s6 =	sld [smem:$0x3FB4]  }
0x2c: {  	s7 =	sld [smem:$0x3FB5]  }
0x2d: {  	s3 =	simm.s32 $0x108;
	s8 =	sld [smem:$0x3FB6]  }
0x2e: {  	s3 =	simm.s32 @!p0 $0x1082;
	s9 =	sld [smem:$0x3FB7]  }
0x2f: {  	lr =	sadd.s32 s0, s3;
	s0 =	sld [smem:$0x3FAE]  }
0x30: {  	s3 =	sld [smem:$0x3FB1]  }
0x31: {  	[smem:$0x3FBA] =	sst s10  }
0x32: {  	s10 =	sld [smem:$0x3FB8];
	_ =	sdelay $0x3  }
0x33: {  	p0 =	seq.s32 s10, $0x1;
	s10 =	sld [smem:$0x3FBA];
	_ =	sdelay $0x3  }
0x34: {  	[smem:$0x3FBA] =	sst s10  }
0x35: {  	s10 =	sld [smem:$0x3FB9];
	_ =	sdelay $0x3  }
0x36: {  	p1 =	seq.s32 s10, $0x1;
	s10 =	sld [smem:$0x3FBA];
	_ =	sdelay $0x3  }
0x37: {  	[smem:$0x3FBA] =	sst s10  }
0x38: {  	s10 =	sld [smem:$0x3FBB]  }
0x39: {  	_ = 	snop;
	(pc) =	sbr.ind lr, $3  }
0x3a: {  	_ = 	snop  }
0x3b: {  	_ = 	snop  }
0x3c: {  	p2 =	seq.s32 s10, $0x1;
	s10 =	sld [smem:$0x3FBA]  }
0x3d: {  	_ =	shalt  }
0x3e: {  	_ =	shalt  }
0x3f: {  	_ =	shalt  }
0x40: {  	_ =	shalt  }
0x41: {  	_ =	shalt  }
0x42: {  	_ =	shalt  }
0x43: {  	_ =	shalt  }
0x44: {  	_ =	shalt  }
0x45: {  	_ =	shalt  }
0x46: {  	_ =	shalt  }
0x47: {  	_ =	shalt  }
0x48: {  	_ =	shalt  }
0x49: {  	_ =	shalt  }
0x4a: {  	_ =	shalt  }
0x4b: {  	_ =	shalt  }
0x4c: {  	_ =	shalt  }
0x4d: {  	_ =	shalt  }
0x4e: {  	_ =	shalt  }
0x4f: {  	_ =	shalt  }
0x50: {  	_ =	shalt  }
0x51: {  	_ =	shalt  }
0x52: {  	_ =	shalt  }
0x53: {  	_ =	shalt  }
0x54: {  	_ =	shalt  }
0x55: {  	_ =	shalt  }
0x56: {  	_ =	shalt  }
0x57: {  	_ =	shalt  }
0x58: {  	_ =	shalt  }
0x59: {  	_ =	shalt  }
0x5a: {  	_ =	shalt  }
0x5b: {  	_ =	shalt  }
0x5c: {  	_ =	shalt  }
0x5d: {  	_ =	shalt  }
0x5e: {  	_ =	shalt  }
0x5f: {  	_ =	shalt  }
0x60: {  	_ =	shalt  }
0x61: {  	_ =	shalt  }
0x62: {  	_ =	shalt  }
0x63: {  	_ =	shalt  }
0x64: {  	_ =	shalt  }
0x65: {  	_ =	shalt  }
0x66: {  	_ =	shalt  }
0x67: {  	_ =	shalt  }
0x68: {  	_ =	shalt  }
0x69: {  	_ =	shalt  }
0x6a: {  	_ =	shalt  }
0x6b: {  	_ =	shalt  }
0x6c: {  	_ =	shalt  }
0x6d: {  	_ =	shalt  }
0x6e: {  	_ =	shalt  }
0x6f: {  	_ =	shalt  }
0x70: {  	_ =	shalt  }
0x71: {  	_ =	shalt  }
0x72: {  	_ =	shalt  }
0x73: {  	_ =	shalt  }
0x74: {  	_ =	shalt  }
0x75: {  	_ =	shalt  }
0x76: {  	_ =	shalt  }
0x77: {  	_ =	shalt  }
0x78: {  	_ =	shalt  }
0x79: {  	_ =	shalt  }
0x7a: {  	_ =	shalt  }
0x7b: {  	_ =	shalt  }
0x7c: {  	_ =	shalt  }
0x7d: {  	_ =	shalt  }
0x7e: {  	_ =	shalt  }
0x7f: {  	_ =	shalt  }
0x80: {  	_ =	shalt  }
0x81: {  	_ =	shalt  }
0x82: {  	_ =	shalt  }
0x83: {  	_ =	shalt  }
0x84: {  	_ =	shalt  }
0x85: {  	_ =	shalt  }
0x86: {  	_ =	shalt  }
0x87: {  	_ =	shalt  }
.Lfunc_end0:
.L_simem_size_0:
called_computation_lowered:
.L_overlay_start_0:
0x88: {  	s2 =	sld [smem:$0x3FD9]  }
0x89: {  	s3 =	sld [smem:$0x3FFE];
	_ =	sdelay $0x1  }
0x8a: {  	s1 =	srdreg.scid  }
0x8b: {  	s0 =	sand.u32 $0x1, s1  }
0x8c: {  	s14 =	sshll.u32 s0, $0xA;
	s2 =	sadd.s32 s3, s2  }
0x8d: {  	s2 =	sadd.s32 s2, s14  }
0x8e: {  	[smem:$0x3FC6] =	sst s2  }
0x8f: {  	_ = 	snop  }
0x90: {  	s2 =	sld [smem:$0x3FD0];
	_ =	sdelay $0x2  }
0x91: {  	s15 =	simm.s32 $0xA;
	s4 =	simm.s32 $0x10  }
0x92: {  	[smem:s4], [sflag:s15] =	dma.local [hbm:s2], $0x1  }
0x93: {  	_ =	swait.eq [sflag:s15], $0x1  }
0x94: {  	s16 =	sld [smem:$0x10]  }
0x95: {  	s17 =	sld [smem:$0x11];
	[sflag:s15] =	ssyncset.done $0x0  }
0x96: {  	s5 =	sld [smem:$0x12];
	[sflag:s15] =	ssyncadd.s32 $0xFFFFFFFF  }
0x97: {  	s18 =	sld [smem:$0x13];
	(tm) =	ssettm $0x1  }
0x98: {  	s6 =	sld [smem:$0x3FFB];
	_ =	sdelay $0x3  }
0x99: {  	_ =	strace s6  }
0x9a: {  	s6 =	sld [smem:$0x3FFC];
	_ =	sdelay $0x3  }
0x9b: {  	_ =	strace s6  }
0x9c: {  	s6 =	sld [smem:$0x3FFD];
	_ =	sdelay $0x3  }
0x9d: {  	_ =	strace s6  }
0x9e: {  	_ =	strace $0x8FFFFFFF  }
0x9f: {  	s19 =	sld [smem:$0x3FDB];
	_ =	sdelay $0x1  }
0xa0: {  	s7 =	simm.s32 $_scs_section_size  }
0xa1: {  	s8 =	simm.s32 $_size__tile_overlayer_lowered;
	s9 =	simm.s32 $_tile_overlayer_lowered  }
0xa2: {  	s22 =	simm.s32 $0x1BFF;
	s21 =	sshll.u32 s9, $0x1;
	s6 =	sadd.s32 s7, s19  }
0xa3: {  	s10 =	simm.s32 $0x0;
	s20 =	sshll.u32 s8, $0x1;
	s8 =	sadd.s32 s21, s6  }
0xa4: {  	[timem:s10], [sflag:s22] =	dma.local [hbm:s8], s20  }
0xa5: {  	_ =	swait.ge [sflag:s22], s20  }
0xa6: {  	s7 =	ssub.s32 $0x0, s20;
	[sflag:s22] =	ssyncset.done $0x0  }
0xa7: {  	[sflag:s22] =	ssyncadd.s32 s7;
	_ =	sdelay $0x1  }
0xa8: {  	s23 =	simm.s32 $0x1B8B  }
0xa9: {  	_ =	swait.ge [sflag:s23], $0x1  }
0xaa: {  	[sflag:s23] =	ssyncset.done $0x0  }
0xab: {  	s25 =	simm.s32 $0x1B8E;
	s24 =	sld [smem:$0x3FFE];
	[sflag:s23] =	ssyncadd.s32 $0xFFFFFFFF  }
0xac: {  	s26 =	simm.s32 $execute0_lowered;
	[smem:$0x3FD2] =	sst s25  }
0xad: {  	s8 =	sshll.u32 s26, $0x1;
	_ =	strace $0x80000046;
	[dreg:$0x1] =	wrdreg $0xFFFFFFFF  }
0xae: {  	s28 =	simm.s32 $_size_execute0_lowered;
	s6 =	sadd.s32 s6, s8;
	[dreg:$0x0] =	wrdreg $0x0  }
0xaf: {  	s8 =	sshll.u32 s28, $0x1;
	[dreg:$0x2] =	wrdreg s6  }
0xb0: {  	[dreg:$0x3] =	wrdreg s8  }
0xb1: {  	[dreg:$0x4] =	wrdreg $0xC0  }
0xb2: {  	_ =	task [dreg:s10], $0x5FFFF  }
0xb3: {  	[dreg:$0x1] =	wrdreg $0xFFFFFFFF  }
0xb4: {  	[dreg:$0x0] =	wrdreg $0x60  }
0xb5: {  	[dreg:$0x2] =	wrdreg s17  }
0xb6: {  	[dreg:$0x3] =	wrdreg s24  }
0xb7: {  	[dreg:$0x4] =	wrdreg s16  }
0xb8: {  	[dreg:$0x5] =	wrdreg s18  }
0xb9: {  	[dreg:$0x6] =	wrdreg s5  }
0xba: {  	[dreg:$0x7] =	wrdreg $0x9  }
0xbb: {  	_ =	task.clear_ibuf [dreg:s10], $0x8FFFF;
	_ =	strace $0x90000046  }
0xbc: {  	s29 =	simm.s32 $0x9;
	_ =	strace $0x80000048  }
0xbd: {  	_ =	swait.ge [sflag:s29], $0x1  }
0xbe: {  	[sflag:s29] =	ssyncadd.s32 $0xFFFFFFFF  }
0xbf: {  	_ =	strace $0x90000048  }
0xc0: {  	_ =	sfence  }
0xc1: {  	s30 =	sld [smem:$0x0];
	_ =	sdelay $0x2  }
0xc2: {  	s31 =	sshll.u32 s1, $0xD;
	s1 =	sshrl.u32 s1, $0x2  }
0xc3: {  	s3 =	sand.u32 $0x4000, s31;
	s1 =	sadd.s32 s1, s30  }
0xc4: {  	s0 =	sor.u32 s3, s0;
	s1 =	sshll.u32 s1, $0x11  }
0xc5: {  	s0 =	sor.u32 s1, s0  }
0xc6: {  	s0 =	sadd.s32 $0x8F2B, s0  }
0xc7: {  	[sflag:s0] =	ssyncadd.remote.s32 $0x1  }
0xc8: {  	_ =	sfence.sel $0xFFFF  }
0xc9: {  	[dreg:$0x0] =	wrdreg $0xFFFFFFFF;
	(pc) =	sbr.abs _section_cstart, $3  }
0xca: {  	[dreg:$0x1] =	wrdreg $0xFFFFFFFF  }
0xcb: {  	_ =	task.clear_ibuf [dreg:s10], $0x2FFFF;
	_ =	strace $0x9FFFFFFF  }
0xcc: {  	(tm) =	ssettm $0x7FFFFFFF  }
0xcd: {  	_ =	shalt  }
tec
execute0_lowered:
.L_overlay_start_1:
0x0: {  	(tag) =	ssettag $0x1  }
0x1: {  	s3 =	rddreg [dreg:$0x0]  }
0x2: {  	s23 =	rddreg [dreg:$0x1]  }
0x3: {  	s17 =	rddreg [dreg:$0x2]  }
0x4: {  	s19 =	rddreg [dreg:$0x3]  }
0x5: {  	s1 =	srdreg.scid;
	s0 =	stileid.u32  }
0x6: {  	s21 =	rddreg [dreg:$0x4];
	s22 =	sand.u32 $0x1, s1;
	s4 =	sshll.u32 s0, $0x1  }
0x7: {  	s2 =	simm.s32 $0x0;
	s1 =	rddreg [dreg:$0x5];
	s20 =	sor.u32 s22, s4  }
0x8: {  	[smem:$0x7FF] =	sst s2;
	s5 =	sshll.u32 s20, $0x5  }
0x9: {  	_ =	strace $0x80000047;
	s4 =	sadd.s32 s3, s5;
	s3 =	simm.s32 $0x1  }
0xa: {  	[tilespmem:s2], [sflag:$0x1] =	stream.linear.gather [hbm4b:s4+s2], $0x100, $0x38;
	[tilespmem:$0x2C80] =	vst v63  }
0xb: {  	_ =	swait.ge [sflag:s3], $0x100  }
0xc: {  	s13 =	sadd.s32 s5, s23;
	[sflag:s3] =	ssyncset.done $0x0  }
0xd: {  	s6 =	simm.s32 $0x100;
	s5 =	sadd.s32 $0x1800, s13;
	[sflag:s3] =	ssyncadd.s32 $0xFFFFFF00  }
0xe: {  	[tilespmem:s6], [sflag:$0x1] =	stream.linear.gather [hbm4b:s5+s2], $0x100, $0x38;
	[tilespmem:$0x2C80] =	vst v63  }
0xf: {  	_ =	swait.ge [sflag:s3], $0x100  }
0x10: {  	[sflag:s3] =	ssyncset.done $0x0  }
0x11: {  	s8 =	simm.s32 $0x200;
	s7 =	sadd.s32 $0x1C00, s13;
	[sflag:s3] =	ssyncadd.s32 $0xFFFFFF00  }
0x12: {  	[tilespmem:s8], [sflag:$0x1] =	stream.linear.gather [hbm4b:s7+s2], $0x100, $0x38;
	[tilespmem:$0x2C80] =	vst v63  }
0x13: {  	_ =	swait.ge [sflag:s3], $0x100  }
0x14: {  	[sflag:s3] =	ssyncset.done $0x0  }
0x15: {  	s10 =	simm.s32 $0x300;
	s9 =	sadd.s32 $0x2000, s13;
	[sflag:s3] =	ssyncadd.s32 $0xFFFFFF00  }
0x16: {  	[tilespmem:s10], [sflag:$0x1] =	stream.linear.gather [hbm4b:s9+s2], $0x100, $0x38;
	[tilespmem:$0x2C80] =	vst v63  }
0x17: {  	_ =	swait.ge [sflag:s3], $0x100  }
0x18: {  	[sflag:s3] =	ssyncset.done $0x0  }
0x19: {  	s12 =	simm.s32 $0x400;
	s11 =	sadd.s32 $0x2400, s13;
	[sflag:s3] =	ssyncadd.s32 $0xFFFFFF00  }
0x1a: {  	[tilespmem:s12], [sflag:$0x1] =	stream.linear.gather [hbm4b:s11+s2], $0x100, $0x38;
	[tilespmem:$0x2C80] =	vst v63  }
0x1b: {  	_ =	swait.ge [sflag:s3], $0x100  }
0x1c: {  	[sflag:s3] =	ssyncset.done $0x0  }
0x1d: {  	s14 =	simm.s32 $0x500;
	s13 =	sadd.s32 $0x2800, s13;
	[sflag:s3] =	ssyncadd.s32 $0xFFFFFF00  }
0x1e: {  	[tilespmem:s14], [sflag:$0x1] =	stream.linear.gather [hbm4b:s13+s2], $0x100, $0x38;
	[tilespmem:$0x2C80] =	vst v63  }
0x1f: {  	_ =	swait.ge [sflag:s3], $0x100  }
0x20: {  	[sflag:s3] =	ssyncset.done $0x0  }
0x21: {  	s16 =	simm.s32 $0x600;
	s15 =	sadd.s32 $0x2C00, s23;
	[sflag:s3] =	ssyncadd.s32 $0xFFFFFF00  }
0x22: {  	[tilespmem:s16], [sflag:$0x1] =	stream.linear.gather [hbm4b:s15+s2], $0x80, $0x38;
	[tilespmem:$0x2C80] =	vst v63  }
0x23: {  	_ =	swait.ge [sflag:s3], $0x80  }
0x24: {  	s18 =	sshll.u32 s20, $0xA;
	[sflag:s3] =	ssyncset.done $0x0  }
0x25: {  	s17 =	sadd.s32 s17, s18;
	s18 =	simm.s32 $0x680;
	[sflag:s3] =	ssyncadd.s32 $0xFFFFFF80  }
0x26: {  	[hbm4b:s17+s2] =	stream.linear.scatter [tilespmem:s18], [sflag:$0x1], $0x2000, $0x38;
	[tilespmem:$0x2C80] =	vst v63  }
0x27: {  	_ =	swait.ge [sflag:s3], $0x2000  }
0x28: {  	s25 =	ssub.s32 $0x2, s22;
	s24 =	sshll.u32 s20, $0x6;
	[sflag:s3] =	ssyncset.done $0x0  }
0x29: {  	s20 =	simm.s32 $0x2680;
	s19 =	sadd.s32 s19, s24;
	[sflag:s3] =	ssyncadd.s32 $0xFFFFE000  }
0x2a: {  	[hbm4b:s19+s2] =	stream.linear.scatter [tilespmem:s20], [sflag:$0x1], $0x200, $0x38;
	[tilespmem:$0x2C80] =	vst v63  }
0x2b: {  	s31 =	sshrl.u32 s25, $0x1;
	s21 =	sadd.s32 s21, s24;
	_ =	swait.ge [sflag:s3], $0x200  }
0x2c: {  	s23 =	sadd.s32 s24, s23;
	s24 =	ssub.s32 s25, s31;
	[sflag:s3] =	ssyncset.done $0x0  }
0x2d: {  	s22 =	simm.s32 $0x2880;
	s25 =	smax.u32 s24, $0x1;
	[sflag:s3] =	ssyncadd.s32 $0xFFFFFE00  }
0x2e: {  	[hbm4b:s21+s2] =	stream.linear.scatter [tilespmem:s22], [sflag:$0x1], $0x200, $0x38;
	[tilespmem:$0x2C80] =	vst v63  }
0x2f: {  	p0 =	sne.s32 s25, $0x1;
	_ =	swait.ge [sflag:s3], $0x200  }
.Ltmp0:
0x30: {  	[sflag:s3] =	ssyncset.done $0x0;
	(pc) =	sbr.rel @!p0 .LBB2_2-.Ltmp0, $4  }
0x31: {  	s23 =	sadd.s32 $0x2E00, s23;
	s24 =	simm.s32 $0x2A80;
	[sflag:s3] =	ssyncadd.s32 $0xFFFFFE00  }
0x32: {  	[hbm4b:s23+s2] =	stream.linear.scatter [tilespmem:s24], [sflag:$0x1], $0x200, $0x38;
	[tilespmem:$0x2C80] =	vst v63  }
0x33: {  	_ =	swait.ge [sflag:s3], $0x200  }
0x34: {  	s25 =	sadd.s32 $0xFFFFFFFF, s25;
	[sflag:s3] =	ssyncset.done $0x0  }
.LBB2_1:
0x35: {  	p0 =	sne.s32 s25, $0x1;
	s25 =	sadd.s32 $0xFFFFFFFF, s25;
	[sflag:s3] =	ssyncadd.s32 $0xFFFFFE00  }
0x36: {  	[tilespmem:s2], [sflag:$0x1] =	stream.linear.gather [hbm4b:s4+s2], $0x100, $0x38;
	[tilespmem:$0x2C80] =	vst v63  }
0x37: {  	_ =	swait.ge [sflag:s3], $0x100  }
0x38: {  	[sflag:s3] =	ssyncset.done $0x0  }
0x39: {  	[sflag:s3] =	ssyncadd.s32 $0xFFFFFF00  }
0x3a: {  	[tilespmem:s6], [sflag:$0x1] =	stream.linear.gather [hbm4b:s5+s2], $0x100, $0x38;
	[tilespmem:$0x2C80] =	vst v63  }
0x3b: {  	_ =	swait.ge [sflag:s3], $0x100  }
0x3c: {  	[sflag:s3] =	ssyncset.done $0x0  }
0x3d: {  	[sflag:s3] =	ssyncadd.s32 $0xFFFFFF00  }
0x3e: {  	[tilespmem:s8], [sflag:$0x1] =	stream.linear.gather [hbm4b:s7+s2], $0x100, $0x38;
	[tilespmem:$0x2C80] =	vst v63  }
0x3f: {  	_ =	swait.ge [sflag:s3], $0x100  }
0x40: {  	[sflag:s3] =	ssyncset.done $0x0  }
0x41: {  	[sflag:s3] =	ssyncadd.s32 $0xFFFFFF00  }
0x42: {  	[tilespmem:s10], [sflag:$0x1] =	stream.linear.gather [hbm4b:s9+s2], $0x100, $0x38;
	[tilespmem:$0x2C80] =	vst v63  }
0x43: {  	_ =	swait.ge [sflag:s3], $0x100  }
0x44: {  	[sflag:s3] =	ssyncset.done $0x0  }
0x45: {  	[sflag:s3] =	ssyncadd.s32 $0xFFFFFF00  }
0x46: {  	[tilespmem:s12], [sflag:$0x1] =	stream.linear.gather [hbm4b:s11+s2], $0x100, $0x38;
	[tilespmem:$0x2C80] =	vst v63  }
0x47: {  	_ =	swait.ge [sflag:s3], $0x100  }
0x48: {  	[sflag:s3] =	ssyncset.done $0x0  }
0x49: {  	[sflag:s3] =	ssyncadd.s32 $0xFFFFFF00  }
0x4a: {  	[tilespmem:s14], [sflag:$0x1] =	stream.linear.gather [hbm4b:s13+s2], $0x100, $0x38;
	[tilespmem:$0x2C80] =	vst v63  }
0x4b: {  	_ =	swait.ge [sflag:s3], $0x100  }
0x4c: {  	[sflag:s3] =	ssyncset.done $0x0  }
0x4d: {  	[sflag:s3] =	ssyncadd.s32 $0xFFFFFF00  }
0x4e: {  	[tilespmem:s16], [sflag:$0x1] =	stream.linear.gather [hbm4b:s15+s2], $0x80, $0x38;
	[tilespmem:$0x2C80] =	vst v63  }
0x4f: {  	_ =	swait.ge [sflag:s3], $0x80  }
0x50: {  	[sflag:s3] =	ssyncset.done $0x0  }
0x51: {  	[sflag:s3] =	ssyncadd.s32 $0xFFFFFF80  }
0x52: {  	[hbm4b:s17+s2] =	stream.linear.scatter [tilespmem:s18], [sflag:$0x1], $0x2000, $0x38;
	[tilespmem:$0x2C80] =	vst v63  }
0x53: {  	_ =	swait.ge [sflag:s3], $0x2000  }
0x54: {  	[sflag:s3] =	ssyncset.done $0x0  }
0x55: {  	[sflag:s3] =	ssyncadd.s32 $0xFFFFE000  }
0x56: {  	[hbm4b:s19+s2] =	stream.linear.scatter [tilespmem:s20], [sflag:$0x1], $0x200, $0x38;
	[tilespmem:$0x2C80] =	vst v63  }
0x57: {  	_ =	swait.ge [sflag:s3], $0x200  }
0x58: {  	[sflag:s3] =	ssyncset.done $0x0  }
0x59: {  	[sflag:s3] =	ssyncadd.s32 $0xFFFFFE00  }
0x5a: {  	[hbm4b:s21+s2] =	stream.linear.scatter [tilespmem:s22], [sflag:$0x1], $0x200, $0x38;
	[tilespmem:$0x2C80] =	vst v63  }
0x5b: {  	_ =	swait.ge [sflag:s3], $0x200  }
.Ltmp1:
0x5c: {  	[sflag:s3] =	ssyncset.done $0x0;
	(pc) =	sbr.rel @p0 .LBB2_1-.Ltmp1, $4  }
0x5d: {  	[sflag:s3] =	ssyncadd.s32 $0xFFFFFE00  }
0x5e: {  	[hbm4b:s23+s2] =	stream.linear.scatter [tilespmem:s24], [sflag:$0x1], $0x200, $0x38;
	[tilespmem:$0x2C80] =	vst v63  }
0x5f: {  	_ =	swait.ge [sflag:s3], $0x200  }
0x60: {  	[sflag:s3] =	ssyncset.done $0x0  }
.LBB2_2:
0x61: {  	[sflag:s3] =	ssyncadd.s32 $0xFFFFFE00  }
0x62: {  	_ =	sfence.sel $0x180000  }
0x63: {  	[bflag:$0x0] =	sbarrier.arrive $0xFFFF  }
0x64: {  	p0 =	sne.s32 s0, $0x0;
	_ =	strace $0x90000047  }
0x65: {  	s0 =	sadd.s32 @!p0 $0x100000, s1;
	[bflag:$0x2] =	sbarrier.arrive $0xFFFF  }
0x66: {  	[sflag:s0] =	ssyncadd.tile.s32 @!p0 $0x1;
	_ =	shalt  }
.Lfunc_end2:
_tile_overlayer_lowered:
.L_overlay_start_2:
0x67: {  	(tag) =	ssettag $0x2  }
0x68: {  	s0 =	rddreg [dreg:$0x0];
	s2 =	stileid.u32  }
0x69: {  	s1 =	rddreg [dreg:$0x1];
	p0 =	sne.s32 s2, $0x0  }
0x6a: {  	s3 =	rddreg [dreg:$0x2];
	[bflag:$0x3] =	sbarrier.arrive $0xFFFF;
	s2 =	simm.s32 @!p0 $0x1C01  }
0x6b: {  	[timem:s3], [sflag:s2] =	dma.local @!p0 [hbm:s0], s1  }
0x6c: {  	s0 =	simm.s32 @!p0 $0x1  }
0x6d: {  	_ =	swait.ge @!p0 [sflag:s0], s1  }
0x6e: {  	s1 =	ssub.s32 @!p0 $0x0, s1;
	[sflag:s0] =	ssyncset.done @!p0 $0x0  }
0x6f: {  	[sflag:s0] =	ssyncadd.s32 @!p0 s1  }
0x70: {  	[bflag:$0x3] =	sbarrier.arrive $0xFFFF  }
0x71: {  	_ =	shalt  }

</sc_bundles>
